<compile_context>
chip_gen: v7x
topology: tpu7x:2x2x1
jax: 0.10.2.dev20260603
libtpu: 0.0.44.dev20260713+nightly
codegen_flags: <defaults>
</compile_context>

<pallas_src>
import functools

import jax
import jax.numpy as jnp
from jax import lax
from jax.experimental import pallas as pl
from jax.experimental.pallas import tpu as pltpu
from jax.experimental.pallas import tpu_sc as plsc

MAXLEN = 2048
NROWS = 16
NFLAT = 16384
LANES = 16
HALF = MAXLEN // 2
WIN = HALF + 32

_mesh = plsc.VectorSubcoreMesh(
    core_axis_name="c", subcore_axis_name="s", num_cores=1, num_subcores=16
)


@functools.partial(
    pl.kernel,
    out_type=jax.ShapeDtypeStruct((NROWS, MAXLEN), jnp.float32),
    mesh=_mesh,
    scratch_types=[
        pltpu.VMEM((WIN,), jnp.float32),
        pltpu.VMEM((WIN,), jnp.float32),
        pltpu.VMEM((HALF,), jnp.float32),
        pltpu.VMEM((HALF,), jnp.float32),
        pltpu.VMEM((LANES,), jnp.int32),
        pltpu.SemaphoreType.DMA,
        pltpu.SemaphoreType.DMA,
        pltpu.SemaphoreType.DMA,
        pltpu.SemaphoreType.DMA,
    ],
    compiler_params=pltpu.CompilerParams(needs_layout_passes=False),
)
def _encode_sc(
    flat_hbm, cu_hbm, out_hbm,
    win0_v, win1_v, out0_v, out1_v, cu_v,
    sem_w0, sem_w1, sem_o0, sem_o1,
):
    b = lax.axis_index("s")

    pltpu.sync_copy(cu_hbm.at[pl.ds(0, LANES)], cu_v)

    bvec = jnp.full((LANES,), b, dtype=jnp.int32)
    start = plsc.load_gather(cu_v, [bvec])
    end = plsc.load_gather(cu_v, [jnp.minimum(bvec + 1, NROWS - 1)])
    end = jnp.where(bvec == NROWS - 1, NFLAT, end)

    s0 = jnp.max(start, axis=0)
    a0 = jnp.clip(s0 & -16, 0, NFLAT - WIN)
    a0 = pl.multiple_of(a0, 16)
    a1 = jnp.clip((s0 + HALF) & -16, 0, NFLAT - WIN)
    a1 = pl.multiple_of(a1, 16)
    c0 = pltpu.async_copy(flat_hbm.at[pl.ds(a0, WIN)], win0_v, sem_w0)
    c1 = pltpu.async_copy(flat_hbm.at[pl.ds(a1, WIN)], win1_v, sem_w1)

    iota = lax.iota(jnp.int32, LANES)
    zero = jnp.zeros((LANES,), jnp.float32)
    sp = start + iota
    limv = start + jnp.minimum(end - start, MAXLEN)
    a0v = jnp.full((LANES,), a0, dtype=jnp.int32)
    a1v = jnp.full((LANES,), a1, dtype=jnp.int32)

    c0.wait()

    @plsc.parallel_loop(0, HALF, LANES, unroll=4)
    def _body0(j):
        t = sp + j
        rel = jnp.minimum(t - a0v, WIN - 1)
        vals = plsc.load_gather(win0_v, [rel])
        out0_v[pl.ds(j, LANES)] = jnp.where(t < limv, vals, zero)

    o0 = pltpu.async_copy(out0_v, out_hbm.at[b, pl.ds(0, HALF)], sem_o0)

    c1.wait()

    @plsc.parallel_loop(HALF, MAXLEN, LANES, unroll=4)
    def _body1(j):
        t = sp + j
        rel = jnp.minimum(t - a1v, WIN - 1)
        vals = plsc.load_gather(win1_v, [rel])
        out1_v[pl.ds(j - HALF, LANES)] = jnp.where(t < limv, vals, zero)

    o1 = pltpu.async_copy(out1_v, out_hbm.at[b, pl.ds(HALF, HALF)], sem_o1)

    o0.wait()
    o1.wait()


def kernel(flat, cu_seqlens):
    return _encode_sc(flat, cu_seqlens.astype(jnp.int32))

# --- scband reference (transcript-rebuilt; emitter-appended) ---
"""Pipeline reference for scband-encode-batch-text-26654567039050 (READ-ONLY COPY).

The authoritative reference and input builder live on the scoring server;
editing this copy changes nothing except your own understanding.
"""

import jax, jax.numpy as jnp
import numpy as np

MAX_LEN = 2048
BATCH = 16
TOTAL = 16384

def setup_inputs(seed: int = 0) -> dict:
    key = jax.random.key(seed)
    flat = jax.random.normal(key, (TOTAL,), dtype=jnp.float32)
    # Build valid cu_seqlens: strictly increasing, starting at 0, ending at TOTAL
    rng = np.random.default_rng(0)
    cuts = np.sort(rng.choice(np.arange(1, TOTAL), size=BATCH - 1, replace=False))
    cu = np.concatenate([[0], cuts, [TOTAL]]).astype(np.int32)
    return {"flat": flat, "cu_seqlens": jnp.asarray(cu)}

def reference(flat, cu_seqlens):
    # Faithful ragged->dense conversion matching the original layer's semantics:
    #   ids = ragged.to_tensor(default_value=0); ids = ids[:, :max_len];
    #   ids = pad(ids, [[0,0],[0, max_len - shape(ids)[1]]]) -> dense [B, max_len]
    # The SentencePiece tokenizer (string -> ragged token ids) is not representable
    # in pure JAX; inputs are provided directly as the flat ragged values + cu_seqlens.
    starts = cu_seqlens[:-1]
    lengths = cu_seqlens[1:] - starts
    total = flat.shape[0]
    pos = jnp.arange(MAX_LEN, dtype=jnp.int32)[None, :]              # [1, max_len]
    gidx = starts[:, None].astype(jnp.int32) + pos                    # [B, max_len]
    valid = pos < jnp.minimum(lengths, MAX_LEN)[:, None].astype(jnp.int32)
    gidx = jnp.clip(gidx, 0, total - 1)
    gathered = jnp.take(flat, gidx, axis=0)                           # SparseCore gather
    dense = jnp.where(valid, gathered, jnp.zeros((), dtype=flat.dtype))
    return dense

if __name__ == "__main__":
    import jax
    _d = setup_inputs()
    print(jax.jit(kernel)(*tuple(_d.values())))

</pallas_src>

<mosaic_0001>
#map = affine_map<(d0, d1) -> (0)>
#map1 = affine_map<(d0, d1) -> (0, 0)>
module attributes {stable_mosaic.version = 14 : i64} {
  func.func @_encode_sc(%arg0: i32, %arg1: i32, %arg2: memref<16384xf32, #tpu.memory_space<hbm>>, %arg3: memref<17xi32, #tpu.memory_space<hbm>>, %arg4: memref<16x2048xf32, #tpu.memory_space<hbm>>, %arg5: memref<1056xf32, #tpu.memory_space<vmem>>, %arg6: memref<1056xf32, #tpu.memory_space<vmem>>, %arg7: memref<1024xf32, #tpu.memory_space<vmem>>, %arg8: memref<1024xf32, #tpu.memory_space<vmem>>, %arg9: memref<16xi32, #tpu.memory_space<vmem>>, %arg10: memref<!tpu.dma_semaphore, #tpu.memory_space<semaphore_mem>>, %arg11: memref<!tpu.dma_semaphore, #tpu.memory_space<semaphore_mem>>, %arg12: memref<!tpu.dma_semaphore, #tpu.memory_space<semaphore_mem>>, %arg13: memref<!tpu.dma_semaphore, #tpu.memory_space<semaphore_mem>>) attributes {dimension_semantics = [#tpu.dimension_semantics<core_parallel>, #tpu.dimension_semantics<subcore_parallel>], iteration_bounds = array<i64: 1, 16>, scalar_prefetch = 0 : i64, scratch_operands = 9 : i64, tpu.core_type = #tpu.core_type<sc_vector_subcore>, window_params = [{transform_indices = #map}, {transform_indices = #map}, {transform_indices = #map1}]} {
    "tpu.region"() ({
      %run_scoped3A = tpu.sem_alloc : memref<!tpu.dma_semaphore, #tpu.memory_space<semaphore_mem>>
      %dma_start3A_72 = arith.constant 0 : i32
      %dma_start3A_73 = tpu.memref_slice %arg3[%dma_start3A_72] : memref<17xi32, #tpu.memory_space<hbm>> -> memref<16xi32, #tpu.memory_space<hbm>>
      %dma_start3A_74 = arith.constant 0 : i32
      %dma_start3A_75 = tpu.memref_slice %arg3[%dma_start3A_74] : memref<17xi32, #tpu.memory_space<hbm>> -> memref<16xi32, #tpu.memory_space<hbm>>
      tpu.enqueue_dma source(%dma_start3A_75 : memref<16xi32, #tpu.memory_space<hbm>>) target(%arg9 : memref<16xi32, #tpu.memory_space<vmem>>) target_semaphore(%run_scoped3A : memref<!tpu.dma_semaphore, #tpu.memory_space<semaphore_mem>>)
      %dma_wait3A_76 = arith.constant 0 : i32
      %dma_wait3A_77 = tpu.memref_slice %arg3[%dma_wait3A_76] : memref<17xi32, #tpu.memory_space<hbm>> -> memref<16xi32, #tpu.memory_space<hbm>>
      %dma_wait3A_78 = arith.constant 0 : i32
      %dma_wait3A_79 = tpu.memref_slice %arg3[%dma_wait3A_78] : memref<17xi32, #tpu.memory_space<hbm>> -> memref<16xi32, #tpu.memory_space<hbm>>
      tpu.wait_dma2 semaphore(%run_scoped3A : memref<!tpu.dma_semaphore, #tpu.memory_space<semaphore_mem>>) src(%dma_wait3A_79 : memref<16xi32, #tpu.memory_space<hbm>>) dst(%arg9 : memref<16xi32, #tpu.memory_space<vmem>>)
      tpu.yield
    }) : () -> ()
    %broadcast_in_dim3A = vector.broadcast %arg1 : i32 to vector<16xi32>
    %gather3A = tpu.vector_load_idx %arg9[%broadcast_in_dim3A] : memref<16xi32, #tpu.memory_space<vmem>>[vector<16xi32>], vector<16xi32>,
    %add3A = arith.constant 1 : i32
    %add3A_0 = vector.broadcast %add3A : i32 to vector<16xi32>
    %add3A_1 = arith.addi %broadcast_in_dim3A, %add3A_0 : vector<16xi32>
    %min3A = arith.constant 15 : i32
    %min3A_2 = vector.broadcast %min3A : i32 to vector<16xi32>
    %min3A_3 = arith.minsi %add3A_1, %min3A_2 : vector<16xi32>
    %gather3A_4 = tpu.vector_load_idx %arg9[%min3A_3] : memref<16xi32, #tpu.memory_space<vmem>>[vector<16xi32>], vector<16xi32>,
    %eq3A = arith.constant 15 : i32
    %eq3A_5 = vector.broadcast %eq3A : i32 to vector<16xi32>
    %eq3A_6 = arith.cmpi eq, %broadcast_in_dim3A, %eq3A_5 : vector<16xi32>
    %jit3A = arith.constant 16384 : i32
    %broadcast_in_dim3A_7 = vector.broadcast %jit3A : i32 to vector<16xi32>
    %select_n3A = arith.select %eq3A_6, %broadcast_in_dim3A_7, %gather3A_4 : vector<16xi1>, vector<16xi32>
    %reduce_max3A = arith.constant true
    %reduce_max3A_8 = vector.broadcast %reduce_max3A : i1 to vector<16xi1>
    %reduce_max3A_9 = arith.constant -2147483648 : i32
    %reduce_max3A_10 = vector.broadcast %reduce_max3A_9 : i32 to vector<16xi32>
    %reduce_max3A_11 = arith.xori %gather3A, %reduce_max3A_10 : vector<16xi32>
    %reduce_max3A_12 = tpu.scan <max>, %reduce_max3A_11 masked %reduce_max3A_8 : vector<16xi32>, vector<16xi1> -> vector<16xi32>
    %reduce_max3A_13 = arith.xori %reduce_max3A_12, %reduce_max3A_10 : vector<16xi32>
    %reduce_max3A_14 = vector.extract %reduce_max3A_13[15] : i32 from vector<16xi32>
    %and3A = arith.constant -16 : i32
    %and3A_15 = arith.andi %reduce_max3A_14, %and3A : i32
    %jit3A_16 = arith.constant 0 : i32
    %jit3A_17 = arith.constant 15328 : i32
    %max3A = arith.maxsi %jit3A_16, %and3A_15 : i32
    %min3A_18 = arith.minsi %jit3A_17, %max3A : i32
    %multiple_of3A = tpu.assume_multiple %min3A_18, 16 : i32
    %add3A_19 = arith.constant 1024 : i32
    %add3A_20 = arith.addi %reduce_max3A_14, %add3A_19 : i32
    %and3A_21 = arith.constant -16 : i32
    %and3A_22 = arith.andi %add3A_20, %and3A_21 : i32
    %jit3A_23 = arith.constant 0 : i32
    %jit3A_24 = arith.constant 15328 : i32
    %max3A_25 = arith.maxsi %jit3A_23, %and3A_22 : i32
    %min3A_26 = arith.minsi %jit3A_24, %max3A_25 : i32
    %multiple_of3A_27 = tpu.assume_multiple %min3A_26, 16 : i32
    %dma_start3A = tpu.memref_slice %arg2[%multiple_of3A] : memref<16384xf32, #tpu.memory_space<hbm>> -> memref<1056xf32, #tpu.memory_space<hbm>>
    %dma_start3A_28 = tpu.memref_slice %arg2[%multiple_of3A] : memref<16384xf32, #tpu.memory_space<hbm>> -> memref<1056xf32, #tpu.memory_space<hbm>>
    tpu.enqueue_dma source(%dma_start3A_28 : memref<1056xf32, #tpu.memory_space<hbm>>) target(%arg5 : memref<1056xf32, #tpu.memory_space<vmem>>) target_semaphore(%arg10 : memref<!tpu.dma_semaphore, #tpu.memory_space<semaphore_mem>>)
    %dma_start3A_29 = tpu.memref_slice %arg2[%multiple_of3A_27] : memref<16384xf32, #tpu.memory_space<hbm>> -> memref<1056xf32, #tpu.memory_space<hbm>>
    %dma_start3A_30 = tpu.memref_slice %arg2[%multiple_of3A_27] : memref<16384xf32, #tpu.memory_space<hbm>> -> memref<1056xf32, #tpu.memory_space<hbm>>
    tpu.enqueue_dma source(%dma_start3A_30 : memref<1056xf32, #tpu.memory_space<hbm>>) target(%arg6 : memref<1056xf32, #tpu.memory_space<vmem>>) target_semaphore(%arg11 : memref<!tpu.dma_semaphore, #tpu.memory_space<semaphore_mem>>)
    %iota3A = tpu.iota {dimensions = array<i32: 0>} : vector<16xi32>
    %broadcast_in_dim3A_31 = arith.constant 0.000000e+00 : f32
    %broadcast_in_dim3A_32 = vector.broadcast %broadcast_in_dim3A_31 : f32 to vector<16xf32>
    %add3A_33 = arith.addi %gather3A, %iota3A : vector<16xi32>
    %sub3A = arith.subi %select_n3A, %gather3A : vector<16xi32>
    %min3A_34 = arith.constant 2048 : i32
    %min3A_35 = vector.broadcast %min3A_34 : i32 to vector<16xi32>
    %min3A_36 = arith.minsi %sub3A, %min3A_35 : vector<16xi32>
    %add3A_37 = arith.addi %gather3A, %min3A_36 : vector<16xi32>
    %broadcast_in_dim3A_38 = vector.broadcast %multiple_of3A : i32 to vector<16xi32>
    %broadcast_in_dim3A_39 = vector.broadcast %multiple_of3A_27 : i32 to vector<16xi32>
    %dma_wait3A = tpu.memref_slice %arg2[%multiple_of3A] : memref<16384xf32, #tpu.memory_space<hbm>> -> memref<1056xf32, #tpu.memory_space<hbm>>
    %dma_wait3A_40 = tpu.memref_slice %arg2[%multiple_of3A] : memref<16384xf32, #tpu.memory_space<hbm>> -> memref<1056xf32, #tpu.memory_space<hbm>>
    tpu.wait_dma2 semaphore(%arg10 : memref<!tpu.dma_semaphore, #tpu.memory_space<semaphore_mem>>) src(%dma_wait3A_40 : memref<1056xf32, #tpu.memory_space<hbm>>) dst(%arg5 : memref<1056xf32, #tpu.memory_space<vmem>>)
    %parallel_loop3A = arith.constant 0 : i32
    %parallel_loop3A_41 = arith.constant 1024 : i32
    %parallel_loop3A_42 = arith.constant 16 : i32
    scf.for %parallel_loop3A_72 = %parallel_loop3A to %parallel_loop3A_41 step %parallel_loop3A_42  : i32 {
      %parallel_loop3A_73 = vector.broadcast %parallel_loop3A_72 : i32 to vector<16xi32>
      %parallel_loop3A_74 = arith.addi %add3A_33, %parallel_loop3A_73 : vector<16xi32>
      %parallel_loop3A_75 = arith.subi %parallel_loop3A_74, %broadcast_in_dim3A_38 : vector<16xi32>
      %parallel_loop3A_76 = arith.constant 1055 : i32
      %parallel_loop3A_77 = vector.broadcast %parallel_loop3A_76 : i32 to vector<16xi32>
      %parallel_loop3A_78 = arith.minsi %parallel_loop3A_75, %parallel_loop3A_77 : vector<16xi32>
      %parallel_loop3A_79 = tpu.vector_load_idx %arg5[%parallel_loop3A_78] : memref<1056xf32, #tpu.memory_space<vmem>>[vector<16xi32>], vector<16xf32>,
      %parallel_loop3A_80 = arith.cmpi slt, %parallel_loop3A_74, %add3A_37 : vector<16xi32>
      %parallel_loop3A_81 = arith.select %parallel_loop3A_80, %parallel_loop3A_79, %broadcast_in_dim3A_32 : vector<16xi1>, vector<16xf32>
      %parallel_loop3A_82 = arith.index_cast %parallel_loop3A_72 : i32 to index
      %parallel_loop3A_83 = tpu.vector_load %arg7[%parallel_loop3A_82] {strides = array<i32>} : memref<1024xf32, #tpu.memory_space<vmem>>, vector<16xf32>,
      tpu.vector_store %arg7[%parallel_loop3A_82], %parallel_loop3A_81 {strides = array<i32>} : memref<1024xf32, #tpu.memory_space<vmem>>, vector<16xf32>,
    } {sc.loop_unroll_factor = 4 : i64, sc.parallel_access}
    %dma_start3A_43 = arith.constant 0 : i32
    %dma_start3A_44 = tpu.memref_slice %arg4[%arg1, %dma_start3A_43] : memref<16x2048xf32, #tpu.memory_space<hbm>> -> memref<1x1024xf32, #tpu.memory_space<hbm>>
    %dma_start3A_45 = tpu.memref_squeeze %dma_start3A_44 : memref<1x1024xf32, #tpu.memory_space<hbm>> -> memref<1024xf32, #tpu.memory_space<hbm>>
    %dma_start3A_46 = arith.constant 0 : i32
    %dma_start3A_47 = tpu.memref_slice %arg4[%arg1, %dma_start3A_46] : memref<16x2048xf32, #tpu.memory_space<hbm>> -> memref<1x1024xf32, #tpu.memory_space<hbm>>
    %dma_start3A_48 = tpu.memref_squeeze %dma_start3A_47 : memref<1x1024xf32, #tpu.memory_space<hbm>> -> memref<1024xf32, #tpu.memory_space<hbm>>
    tpu.enqueue_dma source(%arg7 : memref<1024xf32, #tpu.memory_space<vmem>>) target(%dma_start3A_48 : memref<1024xf32, #tpu.memory_space<hbm>>) target_semaphore(%arg12 : memref<!tpu.dma_semaphore, #tpu.memory_space<semaphore_mem>>)
    %dma_wait3A_49 = tpu.memref_slice %arg2[%multiple_of3A_27] : memref<16384xf32, #tpu.memory_space<hbm>> -> memref<1056xf32, #tpu.memory_space<hbm>>
    %dma_wait3A_50 = tpu.memref_slice %arg2[%multiple_of3A_27] : memref<16384xf32, #tpu.memory_space<hbm>> -> memref<1056xf32, #tpu.memory_space<hbm>>
    tpu.wait_dma2 semaphore(%arg11 : memref<!tpu.dma_semaphore, #tpu.memory_space<semaphore_mem>>) src(%dma_wait3A_50 : memref<1056xf32, #tpu.memory_space<hbm>>) dst(%arg6 : memref<1056xf32, #tpu.memory_space<vmem>>)
    %parallel_loop3A_51 = arith.constant 1024 : i32
    %parallel_loop3A_52 = arith.constant 2048 : i32
    %parallel_loop3A_53 = arith.constant 16 : i32
    scf.for %parallel_loop3A_72 = %parallel_loop3A_51 to %parallel_loop3A_52 step %parallel_loop3A_53  : i32 {
      %parallel_loop3A_73 = vector.broadcast %parallel_loop3A_72 : i32 to vector<16xi32>
      %parallel_loop3A_74 = arith.addi %add3A_33, %parallel_loop3A_73 : vector<16xi32>
      %parallel_loop3A_75 = arith.subi %parallel_loop3A_74, %broadcast_in_dim3A_39 : vector<16xi32>
      %parallel_loop3A_76 = arith.constant 1055 : i32
      %parallel_loop3A_77 = vector.broadcast %parallel_loop3A_76 : i32 to vector<16xi32>
      %parallel_loop3A_78 = arith.minsi %parallel_loop3A_75, %parallel_loop3A_77 : vector<16xi32>
      %parallel_loop3A_79 = tpu.vector_load_idx %arg6[%parallel_loop3A_78] : memref<1056xf32, #tpu.memory_space<vmem>>[vector<16xi32>], vector<16xf32>,
      %parallel_loop3A_80 = arith.cmpi slt, %parallel_loop3A_74, %add3A_37 : vector<16xi32>
      %parallel_loop3A_81 = arith.select %parallel_loop3A_80, %parallel_loop3A_79, %broadcast_in_dim3A_32 : vector<16xi1>, vector<16xf32>
      %parallel_loop3A_82 = arith.constant 1024 : i32
      %parallel_loop3A_83 = arith.subi %parallel_loop3A_72, %parallel_loop3A_82 : i32
      %parallel_loop3A_84 = arith.index_cast %parallel_loop3A_83 : i32 to index
      %parallel_loop3A_85 = tpu.vector_load %arg8[%parallel_loop3A_84] {strides = array<i32>} : memref<1024xf32, #tpu.memory_space<vmem>>, vector<16xf32>,
      tpu.vector_store %arg8[%parallel_loop3A_84], %parallel_loop3A_81 {strides = array<i32>} : memref<1024xf32, #tpu.memory_space<vmem>>, vector<16xf32>,
    } {sc.loop_unroll_factor = 4 : i64, sc.parallel_access}
    %dma_start3A_54 = arith.constant 1024 : i32
    %dma_start3A_55 = tpu.memref_slice %arg4[%arg1, %dma_start3A_54] : memref<16x2048xf32, #tpu.memory_space<hbm>> -> memref<1x1024xf32, #tpu.memory_space<hbm>>
    %dma_start3A_56 = tpu.memref_squeeze %dma_start3A_55 : memref<1x1024xf32, #tpu.memory_space<hbm>> -> memref<1024xf32, #tpu.memory_space<hbm>>
    %dma_start3A_57 = arith.constant 1024 : i32
    %dma_start3A_58 = tpu.memref_slice %arg4[%arg1, %dma_start3A_57] : memref<16x2048xf32, #tpu.memory_space<hbm>> -> memref<1x1024xf32, #tpu.memory_space<hbm>>
    %dma_start3A_59 = tpu.memref_squeeze %dma_start3A_58 : memref<1x1024xf32, #tpu.memory_space<hbm>> -> memref<1024xf32, #tpu.memory_space<hbm>>
    tpu.enqueue_dma source(%arg8 : memref<1024xf32, #tpu.memory_space<vmem>>) target(%dma_start3A_59 : memref<1024xf32, #tpu.memory_space<hbm>>) target_semaphore(%arg13 : memref<!tpu.dma_semaphore, #tpu.memory_space<semaphore_mem>>)
    %dma_wait3A_60 = arith.constant 0 : i32
    %dma_wait3A_61 = tpu.memref_slice %arg4[%arg1, %dma_wait3A_60] : memref<16x2048xf32, #tpu.memory_space<hbm>> -> memref<1x1024xf32, #tpu.memory_space<hbm>>
    %dma_wait3A_62 = tpu.memref_squeeze %dma_wait3A_61 : memref<1x1024xf32, #tpu.memory_space<hbm>> -> memref<1024xf32, #tpu.memory_space<hbm>>
    %dma_wait3A_63 = arith.constant 0 : i32
    %dma_wait3A_64 = tpu.memref_slice %arg4[%arg1, %dma_wait3A_63] : memref<16x2048xf32, #tpu.memory_space<hbm>> -> memref<1x1024xf32, #tpu.memory_space<hbm>>
    %dma_wait3A_65 = tpu.memref_squeeze %dma_wait3A_64 : memref<1x1024xf32, #tpu.memory_space<hbm>> -> memref<1024xf32, #tpu.memory_space<hbm>>
    tpu.wait_dma2 semaphore(%arg12 : memref<!tpu.dma_semaphore, #tpu.memory_space<semaphore_mem>>) src(%arg7 : memref<1024xf32, #tpu.memory_space<vmem>>) dst(%dma_wait3A_65 : memref<1024xf32, #tpu.memory_space<hbm>>)
    %dma_wait3A_66 = arith.constant 1024 : i32
    %dma_wait3A_67 = tpu.memref_slice %arg4[%arg1, %dma_wait3A_66] : memref<16x2048xf32, #tpu.memory_space<hbm>> -> memref<1x1024xf32, #tpu.memory_space<hbm>>
    %dma_wait3A_68 = tpu.memref_squeeze %dma_wait3A_67 : memref<1x1024xf32, #tpu.memory_space<hbm>> -> memref<1024xf32, #tpu.memory_space<hbm>>
    %dma_wait3A_69 = arith.constant 1024 : i32
    %dma_wait3A_70 = tpu.memref_slice %arg4[%arg1, %dma_wait3A_69] : memref<16x2048xf32, #tpu.memory_space<hbm>> -> memref<1x1024xf32, #tpu.memory_space<hbm>>
    %dma_wait3A_71 = tpu.memref_squeeze %dma_wait3A_70 : memref<1x1024xf32, #tpu.memory_space<hbm>> -> memref<1024xf32, #tpu.memory_space<hbm>>
    tpu.wait_dma2 semaphore(%arg13 : memref<!tpu.dma_semaphore, #tpu.memory_space<semaphore_mem>>) src(%arg8 : memref<1024xf32, #tpu.memory_space<vmem>>) dst(%dma_wait3A_71 : memref<1024xf32, #tpu.memory_space<hbm>>)
    return
  }
}

</mosaic_0001>

<sc_bundles>
// kernel: kernel.3.cloned.1.call-start
scs
__scs_entry_jumppad:
0x0: {  	(pc) =	sbr.rel $0x88, $3  }
0x1: {  	(tag) =	ssettag $0x0;
	lr =	simm.s32 $0x1  }
0x2: {  	[smem:$0x3F9F] =	sst lr;
	_ =	strace $0xD0000000  }
0x3: {  	_ = 	snop  }
0x4: {  	_ = 	snop  }
0x5: {  	_ = 	snop  }
0x6: {  	_ = 	snop  }
0x7: {  	_ = 	snop  }
__scs_overlays_trampoline_lowered:
0x8: {  	[smem:$0x3FAE] =	sst s0  }
0x9: {  	[smem:$0x3FAF] =	sst s1  }
0xa: {  	[smem:$0x3FB0] =	sst s2  }
0xb: {  	[smem:$0x3FB1] =	sst s3  }
0xc: {  	[smem:$0x3FB2] =	sst s4  }
0xd: {  	[smem:$0x3FB3] =	sst s5  }
0xe: {  	[smem:$0x3FB4] =	sst s6  }
0xf: {  	[smem:$0x3FB5] =	sst s7  }
0x10: {  	[smem:$0x3FB6] =	sst s8  }
0x11: {  	[smem:$0x3FB7] =	sst s9;
	s0 =	simm.s32 @!p0 $0x0  }
0x12: {  	s1 =	sld [smem:$0x3F9D];
	s0 =	simm.s32 @p0 $0x1  }
0x13: {  	[smem:$0x3FB8] =	sst s0;
	s0 =	simm.s32 @!p1 $0x0  }
0x14: {  	s2 =	sld [smem:$0x3F9C];
	s0 =	simm.s32 @p1 $0x1  }
0x15: {  	[smem:$0x3FB9] =	sst s0;
	s0 =	simm.s32 @!p2 $0x0  }
0x16: {  	s3 =	sld [smem:$0x3FDB];
	s0 =	simm.s32 @p2 $0x1  }
0x17: {  	s4 =	simm.s32 $0x1BF5;
	[smem:$0x3FBB] =	sst s0  }
0x18: {  	s0 =	sld [smem:$0x3F9E];
	_ =	swait.ge [sflag:s4], $0x0  }
0x19: {  	s7 =	sld [smem:$0x3F9F]  }
0x1a: {  	s8 =	sadd.s32 $0xFFFFE003, lr  }
0x1b: {  	s9 =	sadd.s32 $0xFFFFFEF7, lr;
	s5 =	simm.s32 $0xFFFFFFFF;
	p2 =	slt.u32 s8, $0xFFFFF086  }
0x1c: {  	p1 =	slt.u32 s9, $0xF7A;
	s5 =	simm.s32 @!p2 $0x0  }
0x1d: {  	s5 =	simm.s32 @p1 $0x1;
	p0 =	seq.s32 s7, s2  }
0x1e: {  	s7 =	smul.u32 @!p0 $0xF7A, s2;
	p2 =	seq.s32 @!p0 s5, $0x0  }
0x1f: {  	s9 =	smul.u32 $0xF7A, s1;
	s8 =	simm.s32 @!p0 $0x1BF5;
	p2 =	por !p2, p0  }
0x20: {  	[sflag:s8] =	ssyncset.s32 @!p0 $0xFFFFF086;
	s6 =	sadd.s32 @!p0 s3, s7;
	s7 =	simm.s32 @!p0 $0x108  }
0x21: {  	s3 =	sadd.s32 s3, s9;
	s6 =	sadd.s32 @!p0 $0x88, s6;
	s7 =	simm.s32 @p2 $0x1082  }
0x22: {  	[simem:s7], [sflag:s8] =	dma.local @!p0 [hbm:s6], $0xF7A  }
0x23: {  	s9 =	sor.u32 $0xD0000000, s2;
	s6 =	simm.s32 $0x108;
	_ =	swait.ge @!p0 [sflag:s8], $0x0  }
0x24: {  	s3 =	sadd.s32 $0x88, s3;
	s6 =	simm.s32 @!p1 $0x1082;
	[sflag:s4] =	ssyncset.s32 $0xFFFFF086  }
0x25: {  	[simem:s6], [sflag:s4] =	dma.local [hbm:s3], $0xF7A  }
0x26: {  	[smem:$0x3F9F] =	sst s1;
	(tag) =	ssettag s2;
	_ =	strace s9  }
0x27: {  	s1 =	sld [smem:$0x3FAF]  }
0x28: {  	s2 =	sld [smem:$0x3FB0]  }
0x29: {  	s4 =	sld [smem:$0x3FB2]  }
0x2a: {  	p0 =	seq.s32 s5, $0x0;
	s5 =	sld [smem:$0x3FB3]  }
0x2b: {  	s6 =	sld [smem:$0x3FB4]  }
0x2c: {  	s7 =	sld [smem:$0x3FB5]  }
0x2d: {  	s3 =	simm.s32 $0x108;
	s8 =	sld [smem:$0x3FB6]  }
0x2e: {  	s3 =	simm.s32 @!p0 $0x1082;
	s9 =	sld [smem:$0x3FB7]  }
0x2f: {  	lr =	sadd.s32 s0, s3;
	s0 =	sld [smem:$0x3FAE]  }
0x30: {  	s3 =	sld [smem:$0x3FB1]  }
0x31: {  	[smem:$0x3FBA] =	sst s10  }
0x32: {  	s10 =	sld [smem:$0x3FB8];
	_ =	sdelay $0x3  }
0x33: {  	p0 =	seq.s32 s10, $0x1;
	s10 =	sld [smem:$0x3FBA];
	_ =	sdelay $0x3  }
0x34: {  	[smem:$0x3FBA] =	sst s10  }
0x35: {  	s10 =	sld [smem:$0x3FB9];
	_ =	sdelay $0x3  }
0x36: {  	p1 =	seq.s32 s10, $0x1;
	s10 =	sld [smem:$0x3FBA];
	_ =	sdelay $0x3  }
0x37: {  	[smem:$0x3FBA] =	sst s10  }
0x38: {  	s10 =	sld [smem:$0x3FBB]  }
0x39: {  	_ = 	snop;
	(pc) =	sbr.ind lr, $3  }
0x3a: {  	_ = 	snop  }
0x3b: {  	_ = 	snop  }
0x3c: {  	p2 =	seq.s32 s10, $0x1;
	s10 =	sld [smem:$0x3FBA]  }
0x3d: {  	_ =	shalt  }
0x3e: {  	_ =	shalt  }
0x3f: {  	_ =	shalt  }
0x40: {  	_ =	shalt  }
0x41: {  	_ =	shalt  }
0x42: {  	_ =	shalt  }
0x43: {  	_ =	shalt  }
0x44: {  	_ =	shalt  }
0x45: {  	_ =	shalt  }
0x46: {  	_ =	shalt  }
0x47: {  	_ =	shalt  }
0x48: {  	_ =	shalt  }
0x49: {  	_ =	shalt  }
0x4a: {  	_ =	shalt  }
0x4b: {  	_ =	shalt  }
0x4c: {  	_ =	shalt  }
0x4d: {  	_ =	shalt  }
0x4e: {  	_ =	shalt  }
0x4f: {  	_ =	shalt  }
0x50: {  	_ =	shalt  }
0x51: {  	_ =	shalt  }
0x52: {  	_ =	shalt  }
0x53: {  	_ =	shalt  }
0x54: {  	_ =	shalt  }
0x55: {  	_ =	shalt  }
0x56: {  	_ =	shalt  }
0x57: {  	_ =	shalt  }
0x58: {  	_ =	shalt  }
0x59: {  	_ =	shalt  }
0x5a: {  	_ =	shalt  }
0x5b: {  	_ =	shalt  }
0x5c: {  	_ =	shalt  }
0x5d: {  	_ =	shalt  }
0x5e: {  	_ =	shalt  }
0x5f: {  	_ =	shalt  }
0x60: {  	_ =	shalt  }
0x61: {  	_ =	shalt  }
0x62: {  	_ =	shalt  }
0x63: {  	_ =	shalt  }
0x64: {  	_ =	shalt  }
0x65: {  	_ =	shalt  }
0x66: {  	_ =	shalt  }
0x67: {  	_ =	shalt  }
0x68: {  	_ =	shalt  }
0x69: {  	_ =	shalt  }
0x6a: {  	_ =	shalt  }
0x6b: {  	_ =	shalt  }
0x6c: {  	_ =	shalt  }
0x6d: {  	_ =	shalt  }
0x6e: {  	_ =	shalt  }
0x6f: {  	_ =	shalt  }
0x70: {  	_ =	shalt  }
0x71: {  	_ =	shalt  }
0x72: {  	_ =	shalt  }
0x73: {  	_ =	shalt  }
0x74: {  	_ =	shalt  }
0x75: {  	_ =	shalt  }
0x76: {  	_ =	shalt  }
0x77: {  	_ =	shalt  }
0x78: {  	_ =	shalt  }
0x79: {  	_ =	shalt  }
0x7a: {  	_ =	shalt  }
0x7b: {  	_ =	shalt  }
0x7c: {  	_ =	shalt  }
0x7d: {  	_ =	shalt  }
0x7e: {  	_ =	shalt  }
0x7f: {  	_ =	shalt  }
0x80: {  	_ =	shalt  }
0x81: {  	_ =	shalt  }
0x82: {  	_ =	shalt  }
0x83: {  	_ =	shalt  }
0x84: {  	_ =	shalt  }
0x85: {  	_ =	shalt  }
0x86: {  	_ =	shalt  }
0x87: {  	_ =	shalt  }
.Lfunc_end0:
.L_simem_size_0:
called_computation_lowered:
.L_overlay_start_0:
0x88: {  	s0 =	sld [smem:$0x3FD9]  }
0x89: {  	s1 =	sld [smem:$0x3FFE];
	_ =	sdelay $0x3  }
0x8a: {  	s0 =	sadd.s32 s1, s0  }
0x8b: {  	[smem:$0x3FC6] =	sst s0  }
0x8c: {  	_ = 	snop  }
0x8d: {  	s0 =	sld [smem:$0x3FC9]  }
0x8e: {  	s17 =	sld [smem:$0x3FC8]  }
0x8f: {  	s2 =	sld [smem:$0x3FD0];
	(tm) =	ssettm $0x1  }
0x90: {  	s3 =	sld [smem:$0x3FFB];
	_ =	sdelay $0x3  }
0x91: {  	_ =	strace s3  }
0x92: {  	s3 =	sld [smem:$0x3FFC];
	_ =	sdelay $0x3  }
0x93: {  	_ =	strace s3  }
0x94: {  	s3 =	sld [smem:$0x3FFD];
	_ =	sdelay $0x3  }
0x95: {  	_ =	strace s3  }
0x96: {  	_ =	strace $0x8FFFFFFF  }
0x97: {  	s18 =	sld [smem:$0x3FDB];
	_ =	sdelay $0x1  }
0x98: {  	s4 =	simm.s32 $_scs_section_size  }
0x99: {  	s5 =	simm.s32 $_size__tile_overlayer_lowered;
	s6 =	simm.s32 $_tile_overlayer_lowered  }
0x9a: {  	s21 =	simm.s32 $0x1BFF;
	s20 =	sshll.u32 s6, $0x1;
	s3 =	sadd.s32 s4, s18  }
0x9b: {  	s7 =	simm.s32 $0x0;
	s19 =	sshll.u32 s5, $0x1;
	s5 =	sadd.s32 s20, s3  }
0x9c: {  	[timem:s7], [sflag:s21] =	dma.local [hbm:s5], s19  }
0x9d: {  	_ =	swait.ge [sflag:s21], s19  }
0x9e: {  	s4 =	ssub.s32 $0x0, s19;
	[sflag:s21] =	ssyncset.done $0x0  }
0x9f: {  	[sflag:s21] =	ssyncadd.s32 s4;
	_ =	sdelay $0x1  }
0xa0: {  	s22 =	simm.s32 $0x1B8B  }
0xa1: {  	_ =	swait.ge [sflag:s22], $0x1  }
0xa2: {  	[sflag:s22] =	ssyncset.done $0x0  }
0xa3: {  	s23 =	simm.s32 $0x1B8E;
	[sflag:s22] =	ssyncadd.s32 $0xFFFFFFFF  }
0xa4: {  	s24 =	simm.s32 $execute0_lowered;
	[smem:$0x3FD2] =	sst s23  }
0xa5: {  	s4 =	sshll.u32 s24, $0x1;
	_ =	strace $0x80000046;
	[dreg:$0x1] =	wrdreg $0xFFFFFFFF  }
0xa6: {  	s25 =	simm.s32 $_size_execute0_lowered;
	s3 =	sadd.s32 s3, s4;
	[dreg:$0x0] =	wrdreg $0x0  }
0xa7: {  	s4 =	sshll.u32 s25, $0x1;
	[dreg:$0x2] =	wrdreg s3  }
0xa8: {  	[dreg:$0x3] =	wrdreg s4  }
0xa9: {  	[dreg:$0x4] =	wrdreg $0xC0  }
0xaa: {  	_ =	task [dreg:s7], $0x5FFFF  }
0xab: {  	[dreg:$0x1] =	wrdreg $0xFFFFFFFF  }
0xac: {  	[dreg:$0x0] =	wrdreg $0x60  }
0xad: {  	[dreg:$0x2] =	wrdreg s0  }
0xae: {  	[dreg:$0x3] =	wrdreg s17  }
0xaf: {  	[dreg:$0x4] =	wrdreg s2  }
0xb0: {  	[dreg:$0x5] =	wrdreg $0x9  }
0xb1: {  	_ =	task.clear_ibuf [dreg:s7], $0x6FFFF;
	_ =	strace $0x90000046  }
0xb2: {  	s26 =	simm.s32 $0x9;
	_ =	strace $0x80000048  }
0xb3: {  	_ =	swait.ge [sflag:s26], $0x1  }
0xb4: {  	[sflag:s26] =	ssyncadd.s32 $0xFFFFFFFF  }
0xb5: {  	_ =	strace $0x90000048  }
0xb6: {  	_ =	sfence  }
0xb7: {  	s28 =	sld [smem:$0x0];
	_ =	sdelay $0x1  }
0xb8: {  	s29 =	srdreg.scid  }
0xb9: {  	s30 =	sshll.u32 s29, $0xD;
	s31 =	sshrl.u32 s29, $0x2  }
0xba: {  	s1 =	sand.u32 $0x1, s29;
	s2 =	sand.u32 $0x4000, s30;
	s0 =	sadd.s32 s31, s28  }
0xbb: {  	s1 =	sor.u32 s2, s1;
	s0 =	sshll.u32 s0, $0x11  }
0xbc: {  	s0 =	sor.u32 s0, s1  }
0xbd: {  	s0 =	sadd.s32 $0x8F2B, s0  }
0xbe: {  	[sflag:s0] =	ssyncadd.remote.s32 $0x1  }
0xbf: {  	_ =	sfence.sel $0xFFFF  }
0xc0: {  	[dreg:$0x0] =	wrdreg $0xFFFFFFFF;
	(pc) =	sbr.abs _section_cstart, $3  }
0xc1: {  	[dreg:$0x1] =	wrdreg $0xFFFFFFFF  }
0xc2: {  	_ =	task.clear_ibuf [dreg:s7], $0x2FFFF;
	_ =	strace $0x9FFFFFFF  }
0xc3: {  	(tm) =	ssettm $0x7FFFFFFF  }
tec
execute0_lowered:
.L_overlay_start_1:
0x0: {  	(tag) =	ssettag $0x1  }
0x1: {  	s5 =	rddreg [dreg:$0x0]  }
0x2: {  	s4 =	rddreg [dreg:$0x1]  }
0x3: {  	s2 =	rddreg [dreg:$0x2]  }
0x4: {  	s0 =	rddreg [dreg:$0x3];
	s3 =	simm.s32 $0x0  }
0x5: {  	s1 =	stileid.u32;
	[smem:$0x7FF] =	sst s3  }
0x6: {  	s6 =	simm.s32 $0x1100;
	s19 =	simm.s32 $0x5;
	v0 =	vmov s1;
	_ =	strace $0x80000047  }
0x7: {  	[tilespmem:s6], [sflag:$0x5] =	stream.linear.gather [hbm4b:s4+s3], $0x10, $0x38;
	[tilespmem:$0x1180] =	vst v63  }
0x8: {  	_ =	swait.ge [sflag:s19], $0x10  }
0x9: {  	[sflag:s19] =	ssyncset.done $0x0  }
0xa: {  	[sflag:s19] =	ssyncadd.s32 $0xFFFFFFF0  }
0xb: {  	v4 =	vld.idx.msk [tilespmem:v0+s6+$0x0], $0xffff;
	_ =	sdelay $0x4  }
0xc: {  	v1 =	vxor.u32 $0x80000000, v4  }
0xd: {  	(xrf0) =	vmax.scan.msk.u32 $0xffff, v1;
	_ =	sdelay $0x5  }
0xe: {  	v1, _, _ =	vpop (xrf0)  }
0xf: {  	(v2sf) =	vpush v1, $0xF;
	_ =	sdelay $0xa  }
0x10: {  	v1 =	vmin.u32 v0, $0xE  }
0x11: {  	v1 =	vadd.s32 $0x1, v1;
	_ =	sdelay $0x2  }
0x12: {  	s20 =	spop (v2sf)  }
0x13: {  	s4 =	sand.u32 $0xFFFFFFF0, s20  }
0x14: {  	v3 =	vld.idx.msk [tilespmem:v1+s6+$0x0], $0xffff;
	s7 =	sxor.u32 $0x80000000, s4  }
0x15: {  	s4 =	sadd.s32 $0x80000400, s4;
	p0 =	sgt.s32 s7, $0x0  }
0x16: {  	v1 =	vlaneseq.u32;
	s7 =	simm.s32 @!p0 $0x0;
	p0 =	sgt.s32 s4, $0x0  }
0x17: {  	s22 =	simm.s32 $0x30;
	v1 =	vadd.s32 v1, v4;
	s7 =	smin.u32 s7, $0x3BE0;
	s4 =	simm.s32 @!p0 $0x0  }
0x18: {  	s23 =	simm.s32 $0x10;
	vm0 =	veq.s32 v0, $0xF;
	v8 =	vadd.s32 s22, v1;
	s21 =	sshrl.u32 s7, $0x3;
	s4 =	smin.u32 s4, $0x3BE0;
	v2 =	vmov s7  }
0x19: {  	s25 =	simm.s32 $0x20;
	v12 =	vadd.s32 s23, v1;
	v0 =	vsel vm0, $0x4000, v3;
	s6 =	sadd.s32 s5, s21;
	s8 =	sshrl.u32 s4, $0x3;
	v3 =	vsub.s32 v8, v2  }
0x1a: {  	v16 =	vadd.s32 s25, v1;
	v5 =	vsub.s32 v12, v2;
	[tilespmem:s3], [sflag:$0x1] =	stream.linear.gather [hbm4b:s6+s3], $0x420, $0x38;
	vm0 =	vlt.s32 v3, $0x41F;
	[tilespmem:$0x1180] =	vst v63  }
0x1b: {  	s24 =	simm.s32 $0x480;
	s26 =	simm.s32 $0x1;
	v0 =	vsub.s32 v0, v4;
	s5 =	sadd.s32 s5, s8;
	v6 =	vnsel vm0, $0x41F, v3;
	vm0 =	vlt.s32 v5, $0x41F  }
0x1c: {  	v3 =	vadd.s32 s3, v1;
	[tilespmem:s24], [sflag:$0x2] =	stream.linear.gather [hbm4b:s5+s3], $0x420, $0x38;
	v9 =	vnsel vm0, $0x41F, v5;
	v5 =	vsub.s32 v16, v2;
	[tilespmem:$0x1180] =	vst v63  }
0x1d: {  	vm1 =	vlt.s32 v0, $0x800;
	v7 =	vsub.s32 v3, v2;
	_ =	swait.ge [sflag:s26], $0x420;
	vm0 =	vlt.s32 v5, $0x41F  }
0x1e: {  	s29 =	simm.s32 $0x40;
	v0 =	vnsel vm1, $0x800, v0;
	vm1 =	vlt.s32 v7, $0x41F;
	[sflag:s26] =	ssyncset.done $0x0;
	v11 =	vnsel vm0, $0x41F, v5  }
0x1f: {  	s28 =	simm.s32 $0x70;
	s30 =	simm.s32 $0x50;
	v0 =	vadd.s32 v4, v0;
	v4 =	vadd.s32 s29, v1;
	v15 =	vnsel vm1, $0x41F, v7;
	[sflag:s26] =	ssyncadd.s32 $0xFFFFFBE0  }
0x20: {  	s31 =	simm.s32 $0x60;
	v20 =	vsub.s32 v4, v2;
	v5 =	vadd.s32 s28, v1;
	v7 =	vadd.s32 s30, v1;
	v17 =	vld.idx.msk [tilespmem:v6+s3+$0x0], $0xffff  }
0x21: {  	v10 =	vsub.s32 v5, v2;
	v6 =	vadd.s32 s31, v1;
	v18 =	vld.idx.msk [tilespmem:v9+s3+$0x0], $0xffff;
	v9 =	vsub.s32 v7, v2  }
0x22: {  	vm0 =	vlt.s32 v10, $0x41F;
	v19 =	vsub.s32 v6, v2;
	vm1 =	vlt.s32 v9, $0x41F  }
0x23: {  	v14 =	vnsel vm0, $0x41F, v10;
	v13 =	vnsel vm1, $0x41F, v9;
	vm1 =	vlt.s32 v20, $0x41F;
	v11 =	vld.idx.msk [tilespmem:v11+s3+$0x0], $0xffff  }
0x24: {  	vm0 =	vlt.s32 v19, $0x41F;
	v9 =	vnsel vm1, $0x41F, v20;
	vm1 =	vlt.s32 v12, v0;
	v12 =	vld.idx.msk [tilespmem:v15+s3+$0x0], $0xffff  }
0x25: {  	v10 =	vnsel vm0, $0x41F, v19;
	vm0 =	vlt.s32 v8, v0  }
0x26: {  	s6 =	simm.s32 $0x80;
	s5 =	simm.s32 $0x920;
	v17 =	vnsel vm0, $0x0, v17  }
0x27: {  	s7 =	simm.s32 $0xC0;
	s8 =	simm.s32 $0xB0;
	v8 =	vadd.s32 s6, v1;
	vm0 =	vlt.s32 v16, v0;
	v15 =	vnsel vm1, $0x0, v18;
	[tilespmem:s5+$0x10] =	vst v17  }
.LBB2_1:
0x28: {  	p0 =	slt.u32 s7, $0x3C0;
	s9 =	sadd.s32 $0x10, s6;
	v16 =	vadd.s32 s8, v1;
	v17 =	vld.idx.msk [tilespmem:v14+s3+$0x0], $0xffff;
	vm1 =	vlt.s32 v3, v0;
	[tilespmem:s5+$0xFFFFFFF0] =	vst v15;
	v11 =	vnsel vm0, $0x0, v11;
	v3 =	vmovc v4  }
0x29: {  	s8 =	sadd.s32 $0x20, s6;
	v4 =	vmovc v8;
	s6 =	smov.u32 s7;
	v15 =	vadd.s32 s9, v1;
	v14 =	vsub.s32 v16, v2;
	v18 =	vld.idx.msk [tilespmem:v13+s3+$0x0], $0xffff;
	v12 =	vnsel vm1, $0x0, v12;
	[tilespmem:s5+$0x0] =	vst v11  }
0x2a: {  	v19 =	vadd.s32 s8, v1;
	v8 =	vsub.s32 v15, v2;
	vm0 =	vlt.s32 v14, $0x41F;
	v11 =	vld.idx.msk [tilespmem:v10+s3+$0x0], $0xffff;
	[tilespmem:s5+$0xFFFFFFE0] =	vst v12  }
.Ltmp0:
0x2b: {  	v10 =	vsub.s32 v19, v2;
	vm1 =	vlt.s32 v8, $0x41F;
	v14 =	vnsel vm0, $0x41F, v14;
	v12 =	vld.idx.msk [tilespmem:v9+s3+$0x0], $0xffff;
	(pc) =	sbr.rel @p0 .LBB2_1-.Ltmp0, $4  }
0x2c: {  	v9 =	vsub.s32 v4, v2;
	vm0 =	vlt.s32 v10, $0x41F;
	v13 =	vnsel vm1, $0x41F, v8  }
0x2d: {  	vm1 =	vlt.s32 v9, $0x41F;
	v10 =	vnsel vm0, $0x41F, v10;
	vm0 =	vlt.s32 v5, v0;
	v5 =	vmovc v16  }
0x2e: {  	s5 =	sadd.s32 $0x40, s5;
	v9 =	vnsel vm1, $0x41F, v9;
	vm1 =	vlt.s32 v7, v0;
	v16 =	vnsel vm0, $0x0, v17;
	v7 =	vmovc v15  }
0x2f: {  	s7 =	sadd.s32 $0x40, s7;
	s8 =	sadd.s32 $0x30, s6;
	v8 =	vadd.s32 s6, v1;
	vm0 =	vlt.s32 v6, v0;
	v6 =	vmovc v19;
	v15 =	vnsel vm1, $0x0, v18;
	[tilespmem:s5+$0x10] =	vst v16  }
0x30: {  	s7 =	sadd.s32 $0x10, s6;
	v16 =	vadd.s32 s8, v1  }
0x31: {  	s15 =	sadd.s32 $0x20, s6;
	v17 =	vadd.s32 s7, v1;
	v18 =	vsub.s32 v16, v2  }
0x32: {  	v20 =	vadd.s32 s15, v1;
	v19 =	vsub.s32 v17, v2;
	vm1 =	vlt.s32 v18, $0x41F  }
0x33: {  	v21 =	vsub.s32 v20, v2;
	v18 =	vnsel vm1, $0x41F, v18;
	vm1 =	vlt.s32 v19, $0x41F  }
0x34: {  	v14 =	vld.idx.msk [tilespmem:v14+s3+$0x0], $0xffff;
	v2 =	vsub.s32 v8, v2;
	v19 =	vnsel vm1, $0x41F, v19;
	vm1 =	vlt.s32 v21, $0x41F  }
0x35: {  	v13 =	vld.idx.msk [tilespmem:v13+s3+$0x0], $0xffff;
	v21 =	vnsel vm1, $0x41F, v21;
	vm1 =	vlt.s32 v2, $0x41F  }
0x36: {  	v10 =	vld.idx.msk [tilespmem:v10+s3+$0x0], $0xffff;
	v2 =	vnsel vm1, $0x41F, v2  }
0x37: {  	v9 =	vld.idx.msk [tilespmem:v9+s3+$0x0], $0xffff;
	vm1 =	vlt.s32 v3, v0;
	v3 =	vnsel vm0, $0x0, v11  }
0x38: {  	vm0 =	vlt.s32 v5, v0;
	[tilespmem:s5+$0x0] =	vst v3;
	v3 =	vnsel vm1, $0x0, v12;
	v5 =	vld.idx.msk [tilespmem:v18+s3+$0x0], $0xffff  }
0x39: {  	s16 =	sadd.s32 $0x40, s5;
	vm1 =	vlt.s32 v7, v0;
	[tilespmem:s5+$0xFFFFFFE0] =	vst v3;
	v3 =	vnsel vm0, $0x0, v14;
	v7 =	vld.idx.msk [tilespmem:v19+s3+$0x0], $0xffff  }
0x3a: {  	vm0 =	vlt.s32 v6, v0;
	[tilespmem:s16+$0x10] =	vst v3;
	v3 =	vld.idx.msk [tilespmem:v21+s3+$0x0], $0xffff  }
0x3b: {  	[tilespmem:s5+$0xFFFFFFF0] =	vst v15;
	v11 =	vnsel vm1, $0x0, v13;
	vm1 =	vlt.s32 v4, v0;
	v4 =	vnsel vm0, $0x0, v10;
	v6 =	vld.idx.msk [tilespmem:v2+s3+$0x0], $0xffff  }
0x3c: {  	vm0 =	vlt.s32 v16, v0;
	[tilespmem:s16+$0x0] =	vst v4;
	v2 =	vnsel vm1, $0x0, v9  }
0x3d: {  	s5 =	sadd.s32 $0x40, s16;
	vm1 =	vlt.s32 v17, v0;
	[tilespmem:s16+$0xFFFFFFE0] =	vst v2;
	v2 =	vnsel vm0, $0x0, v5  }
0x3e: {  	s19 =	simm.s32 $0x400;
	vm0 =	vlt.s32 v20, v0;
	v4 =	vnsel vm1, $0x0, v7;
	[tilespmem:s5+$0x10] =	vst v2;
	vm1 =	vlt.s32 v8, v0  }
0x3f: {  	s17 =	sshll.u32 s1, $0x8;
	s18 =	sshll.u32 s1, $0x4;
	s20 =	simm.s32 $0x430;
	v2 =	vmov s4;
	v7 =	vadd.s32 s19, v1;
	[tilespmem:s5+$0xFFFFFFF0] =	vst v4;
	v3 =	vnsel vm0, $0x0, v3  }
0x40: {  	s21 =	simm.s32 $0x410;
	v10 =	vadd.s32 s20, v1;
	s3 =	sor.u32 s18, s17;
	v4 =	vnsel vm1, $0x0, v6;
	[tilespmem:s5+$0x0] =	vst v3;
	v3 =	vsub.s32 v7, v2  }
0x41: {  	s23 =	simm.s32 $0x80;
	s24 =	simm.s32 $0x900;
	s3 =	sand.u32 $0x870, s3;
	[tilespmem:s5+$0xFFFFFFE0] =	vst v4;
	vm0 =	vlt.s32 v3, $0x41F;
	v4 =	vsub.s32 v10, v2  }
0x42: {  	s25 =	simm.s32 $0x2;
	s26 =	simm.s32 $0x420;
	v12 =	vadd.s32 s21, v1;
	[tilespmem:s16+$0xFFFFFFF0] =	vst v11;
	s22 =	sadd.s32 s2, s3;
	v5 =	vnsel vm0, $0x41F, v3;
	vm0 =	vlt.s32 v4, $0x41F  }
0x43: {  	v15 =	vadd.s32 s26, v1;
	[hbm4b:s22+s23] =	stream.strided.scatter [tilespmem:s24], [sflag:$0x3], $0x400, s19, s23, $0x38;
	v3 =	vsub.s32 v12, v2;
	v6 =	vnsel vm0, $0x41F, v4;
	[tilespmem:$0x1180] =	vst v63  }
0x44: {  	s5 =	simm.s32 $0x440;
	vm1 =	vlt.s32 v3, $0x41F;
	_ =	swait.ge [sflag:s25], $0x420;
	v4 =	vsub.s32 v15, v2  }
0x45: {  	v8 =	vnsel vm1, $0x41F, v3;
	[sflag:s25] =	ssyncset.done $0x0;
	v3 =	vadd.s32 s5, v1;
	vm0 =	vlt.s32 v4, $0x41F  }
0x46: {  	s28 =	simm.s32 $0x470;
	s4 =	simm.s32 $0x480;
	[sflag:s25] =	ssyncadd.s32 $0xFFFFFBE0;
	v9 =	vsub.s32 v3, v2;
	v13 =	vnsel vm0, $0x41F, v4  }
0x47: {  	s30 =	simm.s32 $0x460;
	v4 =	vadd.s32 s28, v1;
	vm0 =	vlt.s32 v9, $0x41F;
	v14 =	vld.idx.msk [tilespmem:v5+s4+$0x0], $0xffff  }
0x48: {  	s29 =	simm.s32 $0x450;
	v61 =	vnsel vm0, $0x41F, v9;
	v9 =	vsub.s32 v4, v2;
	v60 =	vld.idx.msk [tilespmem:v6+s4+$0x0], $0xffff;
	v6 =	vadd.s32 s30, v1  }
0x49: {  	v5 =	vadd.s32 s29, v1;
	vm0 =	vlt.s32 v9, $0x41F;
	v63 =	vsub.s32 v6, v2  }
0x4a: {  	v62 =	vld.idx.msk [tilespmem:v8+s4+$0x0], $0xffff;
	v8 =	vsub.s32 v5, v2;
	v11 =	vnsel vm0, $0x41F, v9;
	vm0 =	vlt.s32 v63, $0x41F  }
0x4b: {  	vm1 =	vlt.s32 v8, $0x41F;
	v9 =	vnsel vm0, $0x41F, v63;
	vm0 =	vlt.s32 v10, v0;
	v10 =	vld.idx.msk [tilespmem:v13+s4+$0x0], $0xffff  }
0x4c: {  	v8 =	vnsel vm1, $0x41F, v8;
	vm1 =	vlt.s32 v7, v0  }
0x4d: {  	s6 =	simm.s32 $0x480;
	s31 =	sand.u32 $0x7C0, s19;
	v14 =	vnsel vm1, $0x0, v14  }
0x4e: {  	s7 =	simm.s32 $0xD30;
	v7 =	vadd.s32 s6, v1;
	vm1 =	vlt.s32 v12, v0;
	[tilespmem:s31+$0x900] =	vst v14;
	v16 =	vnsel vm0, $0x0, v60  }
0x4f: {  	s9 =	simm.s32 $0x4B0;
	s8 =	simm.s32 $0x4C0;
	v12 =	vld.idx.msk [tilespmem:v61+s4+$0x0], $0xffff;
	v14 =	vsub.s32 v7, v2;
	vm0 =	vlt.s32 v15, v0;
	v13 =	vnsel vm1, $0x0, v62;
	[tilespmem:s7+$0x0] =	vst v16  }
.LBB2_3:
0x50: {  	p0 =	slt.u32 s8, $0x7C0;
	vm1 =	vlt.s32 v14, $0x41F;
	s10 =	sadd.s32 $0x10, s6;
	v15 =	vadd.s32 s9, v1;
	v16 =	vld.idx.msk [tilespmem:v11+s4+$0x0], $0xffff;
	[tilespmem:s7+$0xFFFFFFE0] =	vst v13;
	v10 =	vnsel vm0, $0x0, v10;
	v17 =	vmovc v6  }
0x51: {  	s9 =	sadd.s32 $0x20, s6;
	v13 =	vnsel vm1, $0x41F, v14;
	v14 =	vadd.s32 s10, v1;
	v11 =	vsub.s32 v15, v2;
	v18 =	vld.idx.msk [tilespmem:v8+s4+$0x0], $0xffff;
	[tilespmem:s7+$0xFFFFFFF0] =	vst v10  }
0x52: {  	v6 =	vadd.s32 s9, v1;
	v8 =	vsub.s32 v14, v2;
	vm0 =	vlt.s32 v11, $0x41F;
	v10 =	vld.idx.msk [tilespmem:v9+s4+$0x0], $0xffff  }
.Ltmp1:
0x53: {  	v9 =	vsub.s32 v6, v2;
	vm1 =	vlt.s32 v8, $0x41F;
	v11 =	vnsel vm0, $0x41F, v11;
	(pc) =	sbr.rel @p0 .LBB2_3-.Ltmp1, $4  }
0x54: {  	vm0 =	vlt.s32 v9, $0x41F;
	v8 =	vnsel vm1, $0x41F, v8;
	vm1 =	vlt.s32 v3, v0;
	v3 =	vmovc v7  }
0x55: {  	s9 =	sand.u32 $0x7C0, s5;
	s5 =	smov.u32 s6;
	s6 =	smov.u32 s8;
	v9 =	vnsel vm0, $0x41F, v9;
	vm0 =	vlt.s32 v4, v0;
	v4 =	vmovc v15;
	v12 =	vnsel vm1, $0x0, v12  }
0x56: {  	s7 =	sadd.s32 $0x40, s7;
	v7 =	vadd.s32 s8, v1;
	vm1 =	vlt.s32 v5, v0;
	v15 =	vnsel vm0, $0x0, v16;
	v5 =	vmovc v14;
	[tilespmem:s9+$0x900] =	vst v12  }
0x57: {  	s8 =	sadd.s32 $0x40, s8;
	v14 =	vsub.s32 v7, v2;
	vm0 =	vlt.s32 v17, v0;
	s9 =	sadd.s32 $0x30, s6;
	v12 =	vld.idx.msk [tilespmem:v13+s4+$0x0], $0xffff;
	v13 =	vnsel vm1, $0x0, v18;
	[tilespmem:s7+$0x0] =	vst v15  }
0x58: {  	vm1 =	vlt.s32 v14, $0x41F;
	s8 =	sadd.s32 $0x10, s6;
	v15 =	vadd.s32 s9, v1  }
0x59: {  	s22 =	sadd.s32 $0x20, s6;
	v14 =	vnsel vm1, $0x41F, v14;
	v16 =	vadd.s32 s8, v1;
	v17 =	vsub.s32 v15, v2  }
0x5a: {  	v52 =	vadd.s32 s22, v1;
	v18 =	vsub.s32 v16, v2;
	vm5 =	vlt.s32 v17, $0x41F  }
0x5b: {  	v53 =	vsub.s32 v52, v2;
	v17 =	vnsel vm5, $0x41F, v17;
	vm6 =	vlt.s32 v18, $0x41F  }
0x5c: {  	v11 =	vld.idx.msk [tilespmem:v11+s4+$0x0], $0xffff;
	vm7 =	vlt.s32 v53, $0x41F;
	v18 =	vnsel vm6, $0x41F, v18  }
0x5d: {  	v8 =	vld.idx.msk [tilespmem:v8+s4+$0x0], $0xffff;
	v2 =	vnsel vm7, $0x41F, v53  }
0x5e: {  	v9 =	vld.idx.msk [tilespmem:v9+s4+$0x0], $0xffff  }
0x5f: {  	[tilespmem:s7+$0xFFFFFFE0] =	vst v13;
	vm8 =	vlt.s32 v3, v0;
	v54 =	vnsel vm0, $0x0, v10;
	v55 =	vld.idx.msk [tilespmem:v14+s4+$0x0], $0xffff  }
0x60: {  	s5 =	sand.u32 $0x7C0, s5;
	vm9 =	vlt.s32 v4, v0;
	[tilespmem:s7+$0xFFFFFFF0] =	vst v54;
	v56 =	vnsel vm8, $0x0, v12;
	v57 =	vld.idx.msk [tilespmem:v17+s4+$0x0], $0xffff  }
0x61: {  	vm10 =	vlt.s32 v5, v0;
	s23 =	sadd.s32 $0x40, s7;
	[tilespmem:s5+$0x900] =	vst v56;
	v58 =	vnsel vm9, $0x0, v11;
	v59 =	vld.idx.msk [tilespmem:v18+s4+$0x0], $0xffff  }
0x62: {  	vm11 =	vlt.s32 v6, v0;
	v8 =	vnsel vm10, $0x0, v8;
	[tilespmem:s23+$0x0] =	vst v58;
	v2 =	vld.idx.msk [tilespmem:v2+s4+$0x0], $0xffff  }
0x63: {  	vm12 =	vlt.s32 v7, v0;
	v60 =	vnsel vm11, $0x0, v9;
	[tilespmem:s23+$0xFFFFFFE0] =	vst v8  }
0x64: {  	s24 =	sand.u32 $0x7C0, s6;
	vm13 =	vlt.s32 v15, v0;
	[tilespmem:s23+$0xFFFFFFF0] =	vst v60;
	v61 =	vnsel vm12, $0x0, v55  }
0x65: {  	s25 =	sadd.s32 $0x40, s23;
	vm14 =	vlt.s32 v16, v0;
	[tilespmem:s24+$0x900] =	vst v61;
	v62 =	vnsel vm13, $0x0, v57  }
0x66: {  	vm15 =	vlt.s32 v52, v0;
	v63 =	vnsel vm14, $0x0, v59;
	[tilespmem:s25+$0x0] =	vst v62  }
0x67: {  	s2 =	sadd.s32 s3, s2;
	s26 =	simm.s32 $0x80;
	s28 =	simm.s32 $0x400;
	v0 =	vnsel vm15, $0x0, v2;
	[tilespmem:s25+$0xFFFFFFE0] =	vst v63  }
0x68: {  	s29 =	simm.s32 $0xD00;
	s30 =	simm.s32 $0x3;
	s2 =	sadd.s32 $0x400, s2;
	[tilespmem:s25+$0xFFFFFFF0] =	vst v0  }
0x69: {  	[hbm4b:s2+s26] =	stream.strided.scatter [tilespmem:s29], [sflag:$0x4], $0x400, s28, s26, $0x38;
	[tilespmem:$0x1180] =	vst v63  }
0x6a: {  	_ =	swait.ge [sflag:s30], $0x400  }
0x6b: {  	[sflag:s30] =	ssyncset.done $0x0  }
0x6c: {  	s31 =	simm.s32 $0x4;
	[sflag:s30] =	ssyncadd.s32 $0xFFFFFC00  }
0x6d: {  	_ =	swait.ge [sflag:s31], $0x400  }
0x6e: {  	[sflag:s31] =	ssyncset.done $0x0  }
0x6f: {  	[sflag:s31] =	ssyncadd.s32 $0xFFFFFC00  }
0x70: {  	_ =	sfence.sel $0x180000  }
0x71: {  	[bflag:$0x0] =	sbarrier.arrive $0xFFFF  }
0x72: {  	p0 =	sne.s32 s1, $0x0;
	_ =	strace $0x90000047  }
0x73: {  	s0 =	sadd.s32 @!p0 $0x100000, s0;
	[bflag:$0x2] =	sbarrier.arrive $0xFFFF  }
0x74: {  	[sflag:s0] =	ssyncadd.tile.s32 @!p0 $0x1;
	_ =	shalt  }
.Lfunc_end2:
_tile_overlayer_lowered:
.L_overlay_start_2:
0x75: {  	(tag) =	ssettag $0x2  }
0x76: {  	s0 =	rddreg [dreg:$0x0];
	s2 =	stileid.u32  }
0x77: {  	s1 =	rddreg [dreg:$0x1];
	p0 =	sne.s32 s2, $0x0  }
0x78: {  	s3 =	rddreg [dreg:$0x2];
	[bflag:$0x3] =	sbarrier.arrive $0xFFFF;
	s2 =	simm.s32 @!p0 $0x1C05  }
0x79: {  	[timem:s3], [sflag:s2] =	dma.local @!p0 [hbm:s0], s1  }
0x7a: {  	s0 =	simm.s32 @!p0 $0x5  }
0x7b: {  	_ =	swait.ge @!p0 [sflag:s0], s1  }
0x7c: {  	s1 =	ssub.s32 @!p0 $0x0, s1;
	[sflag:s0] =	ssyncset.done @!p0 $0x0  }
0x7d: {  	[sflag:s0] =	ssyncadd.s32 @!p0 s1  }
0x7e: {  	[bflag:$0x3] =	sbarrier.arrive $0xFFFF  }
0x7f: {  	_ =	shalt  }

</sc_bundles>
